<compile_context>
chip_gen: v7x
topology: tpu7x:2x2x1
jax: 0.10.2.dev20260603
libtpu: 0.0.44.dev20260713+nightly
codegen_flags: <defaults>
</compile_context>

<pallas_src>
import jax
import jax.numpy as jnp
from jax import lax
from jax.experimental import pallas as pl
from jax.experimental.pallas import tpu as pltpu

_TRHS = (((1,), (1,)), ((), ()))


def _group_expand(sb, ng, n_in, g):
    sel = (lax.broadcasted_iota(jnp.int32, (ng, n_in), 1) // g
           == lax.broadcasted_iota(jnp.int32, (ng, n_in), 0))
    return jnp.dot(sb.astype(jnp.bfloat16), sel.astype(jnp.bfloat16),
                   preferred_element_type=jnp.float32)


def _moe_tile_body(te_ref, x_ref, rw_ref, w1_ref, s1_ref, b1_ref,
                   w2_ref, s2_ref, b2_ref, o_ref, w1f_ref, w2f_ref):
    two_i, h = w1_ref.shape[1], w1_ref.shape[2]
    ng1 = s1_ref.shape[2]
    g1 = h // ng1
    ii = w2_ref.shape[2]
    ng2 = s2_ref.shape[2]
    g2 = ii // ng2

    t = pl.program_id(0)
    te_now = te_ref[t]
    te_prev = te_ref[jnp.maximum(t - 1, 0)]

    @pl.when((t == 0) | (te_now != te_prev))
    def _dequant():
        s1f = _group_expand(s1_ref[te_now], ng1, h, g1)
        b1f = _group_expand(b1_ref[te_now], ng1, h, g1)
        q1 = w1_ref[te_now].astype(jnp.float32)
        w1f_ref[...] = (q1 * s1f + b1f).astype(jnp.bfloat16)
        s2f = _group_expand(s2_ref[te_now], ng2, ii, g2)
        b2f = _group_expand(b2_ref[te_now], ng2, ii, g2)
        q2 = w2_ref[te_now].astype(jnp.float32)
        w2f_ref[...] = (q2 * s2f + b2f).astype(jnp.bfloat16)

    x = x_ref[...]
    o_ref[...] = x.astype(jnp.float32) * rw_ref[0, 0][:, None]
    return
    y = lax.dot_general(x, w1f_ref[...], _TRHS,
                        preferred_element_type=jnp.float32)
    half = two_i // 2
    gate = y[:, :half]
    up = y[:, half:]
    act = gate * jax.nn.sigmoid(gate) * up
    z = lax.dot_general(act.astype(jnp.bfloat16), w2f_ref[...], _TRHS,
                        preferred_element_type=jnp.float32)
    o_ref[...] = z * rw_ref[0, 0][:, None]


def kernel(x, expert_weights, expert_indices, top_k, w1, s1, b1, w2, s2, b2):
    p, h = x.shape
    e, two_i, _ = w1.shape
    i = w2.shape[2]
    tk = expert_indices.shape[-1]
    t = p * tk
    B = 128
    nt = (t + e * (B - 1)) // B

    flat = expert_indices.reshape(-1).astype(jnp.int32)
    onehot = (flat[:, None] == jnp.arange(e, dtype=jnp.int32)[None, :])
    csum = jnp.cumsum(onehot.astype(jnp.int32), axis=0)
    rank = jnp.sum(jnp.where(onehot, csum, 0), axis=1) - 1
    counts = csum[-1]
    tiles_per = (counts + B - 1) // B
    tile_start = jnp.cumsum(tiles_per) - tiles_per
    dest_flat = tile_start[flat] * B + rank
    src = jnp.full((nt * B,), -1, jnp.int32).at[dest_flat].set(
        jnp.arange(t, dtype=jnp.int32))
    valid = src >= 0
    srcc = jnp.where(valid, src, 0)
    rw_flat = expert_weights.reshape(-1).astype(jnp.float32)
    rw_pad = jnp.where(valid, rw_flat[srcc], 0.0)
    tile_expert = jnp.minimum(
        jnp.searchsorted(jnp.cumsum(tiles_per), jnp.arange(nt), side="right"),
        e - 1).astype(jnp.int32)

    x_pad = jnp.take(x.astype(jnp.bfloat16), srcc // tk, axis=0)
    rw3 = rw_pad.reshape(nt, 1, B)

    w1q = w1.astype(jnp.int8)
    w2q = w2.astype(jnp.int8)

    _whole3 = lambda sh: pl.BlockSpec(sh, lambda ti, te: (0, 0, 0))
    grid_spec = pltpu.PrefetchScalarGridSpec(
        num_scalar_prefetch=1,
        grid=(nt,),
        in_specs=[
            pl.BlockSpec((B, h), lambda ti, te: (ti, 0)),
            pl.BlockSpec((1, 1, B), lambda ti, te: (ti, 0, 0)),
            _whole3(w1q.shape),
            _whole3(s1.shape),
            _whole3(b1.shape),
            _whole3(w2q.shape),
            _whole3(s2.shape),
            _whole3(b2.shape),
        ],
        out_specs=pl.BlockSpec((B, h), lambda ti, te: (ti, 0)),
        scratch_shapes=[
            pltpu.VMEM((two_i, h), jnp.bfloat16),
            pltpu.VMEM((h, i), jnp.bfloat16),
        ],
    )
    z_pad = pl.pallas_call(
        _moe_tile_body,
        grid_spec=grid_spec,
        out_shape=jax.ShapeDtypeStruct((nt * B, h), jnp.float32),
    )(tile_expert, x_pad, rw3, w1q, s1, b1, w2q, s2, b2)

    return jnp.take(z_pad, dest_flat, axis=0).reshape(p, tk, h).sum(axis=1)

# --- scband reference (transcript-rebuilt; emitter-appended) ---
"""Pipeline reference for scband-metal-mo-eexperts-90580860272681 (READ-ONLY COPY).

The authoritative reference and input builder live on the scoring server;
editing this copy changes nothing except your own understanding.
"""

import jax, jax.numpy as jnp
import numpy as np

E = 8
I = 1024
H = 768
G = 32
P = 2048
TOPK = 2


def _dequant(q, s, b, group_size):
    # MLX affine INT4 dequant: w = scale * q + bias, per group along input dim
    e, o, n_in = q.shape
    ng = n_in // group_size
    qf = q.reshape(e, o, ng, group_size).astype(jnp.float32)
    w = qf * s[..., None] + b[..., None]
    return w.reshape(e, o, n_in)


def setup_inputs(seed: int = 0) -> dict:
    key = jax.random.key(seed)
    ks = jax.random.split(key, 10)
    x = jax.random.normal(ks[0], (P, H), dtype=jnp.float32)
    ew = jax.random.uniform(ks[1], (P, TOPK), dtype=jnp.float32) + 1e-3
    expert_weights = ew / ew.sum(axis=-1, keepdims=True)
    expert_indices = jax.random.randint(ks[2], (P, TOPK), 0, E)
    # Quantized expert weights in affine INT4 format (values 0..15)
    w1 = jax.random.randint(ks[3], (E, 2 * I, H), 0, 16, dtype=jnp.int32)
    s1 = jax.random.uniform(ks[4], (E, 2 * I, H // G), jnp.float32, 0.005, 0.02)
    b1 = jax.random.uniform(ks[5], (E, 2 * I, H // G), jnp.float32, -0.08, 0.0)
    w2 = jax.random.randint(ks[6], (E, H, I), 0, 16, dtype=jnp.int32)
    s2 = jax.random.uniform(ks[7], (E, H, I // G), jnp.float32, 0.005, 0.02)
    b2 = jax.random.uniform(ks[8], (E, H, I // G), jnp.float32, -0.08, 0.0)
    return {"x": x, "expert_weights": expert_weights, "expert_indices": expert_indices,
            "top_k": TOPK, "w1": w1, "s1": s1, "b1": b1, "w2": w2, "s2": s2, "b2": b2}


def reference(x, expert_weights, expert_indices, top_k, w1, s1, b1, w2, s2, b2):
    p = x.shape[0]
    tk = expert_indices.shape[-1]
    idx = (expert_indices + top_k * 0).reshape(-1).astype(jnp.int32)  # [P*top_k]
    x_exp = jnp.broadcast_to(x[:, None, :], (p, tk, x.shape[-1])).reshape(p * tk, x.shape[-1])
    # gather_qmv #1 (gate+up): dequantize experts, compute all-expert matmul, gather per-token
    W1 = _dequant(w1, s1, b1, G)  # [E, 2I, H]
    y_all = jnp.einsum('th,eoh->teo', x_exp, W1)  # [T, E, 2I]
    gate_up = jnp.take_along_axis(y_all, idx[:, None, None], axis=1)[:, 0, :]
    gate = gate_up[..., :I]
    up = gate_up[..., I:]
    activated = jax.nn.silu(gate) * up
    # gather_qmv #2 (down)
    W2 = _dequant(w2, s2, b2, G)  # [E, H, I]
    z_all = jnp.einsum('ti,eoi->teo', activated, W2)  # [T, E, H]
    down = jnp.take_along_axis(z_all, idx[:, None, None], axis=1)[:, 0, :]
    down = down.reshape(p, tk, -1)
    return (down * expert_weights[..., None]).sum(axis=1)

if __name__ == "__main__":
    import jax
    _d = setup_inputs()
    print(jax.jit(kernel)(*tuple(_d.values())))

</pallas_src>

<mosaic_0001>
module attributes {stable_mosaic.version = 14 : i64} {
  func.func @_moe_tile_body(%arg0: i32, %arg1: memref<39xi32, #tpu.memory_space<smem>>, %arg2: memref<128x768xbf16, #tpu.memory_space<vmem>>, %arg3: memref<1x1x128xf32, #tpu.memory_space<vmem>>, %arg4: memref<8x2048x768xi8, #tpu.memory_space<vmem>>, %arg5: memref<8x2048x24xf32, #tpu.memory_space<vmem>>, %arg6: memref<8x2048x24xf32, #tpu.memory_space<vmem>>, %arg7: memref<8x768x1024xi8, #tpu.memory_space<vmem>>, %arg8: memref<8x768x32xf32, #tpu.memory_space<vmem>>, %arg9: memref<8x768x32xf32, #tpu.memory_space<vmem>>, %arg10: memref<128x768xf32, #tpu.memory_space<vmem>>, %arg11: memref<2048x768xbf16, #tpu.memory_space<vmem>>, %arg12: memref<768x1024xbf16, #tpu.memory_space<vmem>>) attributes {dimension_semantics = [#tpu.dimension_semantics<arbitrary>], iteration_bounds = array<i64: 39>, scalar_prefetch = 1 : i64, scratch_operands = 2 : i64, tpu.core_type = #tpu.core_type<tc>, window_params = [{transform_indices = @transform_0, window_bounds = array<i64: 128, 768>}, {transform_indices = @transform_1, window_bounds = array<i64: 1, 1, 128>}, {pipeline_mode = #tpu.pipeline_mode<synchronous>, transform_indices = @transform_2, window_bounds = array<i64: 8, 2048, 768>}, {pipeline_mode = #tpu.pipeline_mode<synchronous>, transform_indices = @transform_3, window_bounds = array<i64: 8, 2048, 24>}, {pipeline_mode = #tpu.pipeline_mode<synchronous>, transform_indices = @transform_4, window_bounds = array<i64: 8, 2048, 24>}, {pipeline_mode = #tpu.pipeline_mode<synchronous>, transform_indices = @transform_5, window_bounds = array<i64: 8, 768, 1024>}, {pipeline_mode = #tpu.pipeline_mode<synchronous>, transform_indices = @transform_6, window_bounds = array<i64: 8, 768, 32>}, {pipeline_mode = #tpu.pipeline_mode<synchronous>, transform_indices = @transform_7, window_bounds = array<i64: 8, 768, 32>}, {transform_indices = @transform_8, window_bounds = array<i64: 128, 768>}]} {
    %get3A = arith.index_cast %arg0 : i32 to index
    %get3A_0 = memref.load %arg1[%get3A] : memref<39xi32, #tpu.memory_space<smem>>
    %sub3A = arith.constant 1 : i32
    %sub3A_1 = arith.subi %arg0, %sub3A : i32
    %max3A = arith.constant 0 : i32
    %max3A_2 = arith.maxsi %sub3A_1, %max3A : i32
    %get3A_3 = arith.index_cast %max3A_2 : i32 to index
    %get3A_4 = memref.load %arg1[%get3A_3] : memref<39xi32, #tpu.memory_space<smem>>
    %eq3A = arith.constant 0 : i32
    %eq3A_5 = arith.cmpi eq, %arg0, %eq3A : i32
    %ne3A = arith.cmpi ne, %get3A_0, %get3A_4 : i32
    %or3A = arith.ori %eq3A_5, %ne3A : i1
    %convert_element_type3A = arith.extui %or3A : i1 to i32
    %cond3A = arith.constant 0 : i32
    %cond3A_6 = arith.cmpi ne, %convert_element_type3A, %cond3A : i32
    scf.if %cond3A_6 {
      %get3A_19 = arith.index_cast %get3A_0 : i32 to index
      %get3A_20 = arith.constant 0 : index
      %get3A_21 = arith.constant 0 : index
      %get3A_22 = vector.load %arg5[%get3A_19, %get3A_20, %get3A_21] : memref<8x2048x24xf32, #tpu.memory_space<vmem>>, vector<1x2048x24xf32>
      %get3A_23 = vector.shape_cast %get3A_22 : vector<1x2048x24xf32> to vector<2048x24xf32>
      %iota3A = tpu.iota {dimensions = array<i32: 1>} : vector<24x768xi32>
      %jit3A = arith.constant 32 : i32
      %div3A = vector.broadcast %jit3A : i32 to vector<24x768xi32>
      %div3A_24 = arith.divsi %iota3A, %div3A : vector<24x768xi32>
      %sign3A = arith.constant 0 : i32
      %sign3A_25 = vector.broadcast %sign3A : i32 to vector<24x768xi32>
      %sign3A_26 = arith.cmpi sgt, %iota3A, %sign3A_25 : vector<24x768xi32>
      %sign3A_27 = arith.extui %sign3A_26 : vector<24x768xi1> to vector<24x768xi32>
      %sign3A_28 = arith.constant 0 : i32
      %sign3A_29 = vector.broadcast %sign3A_28 : i32 to vector<24x768xi32>
      %sign3A_30 = arith.cmpi slt, %iota3A, %sign3A_29 : vector<24x768xi32>
      %sign3A_31 = arith.extui %sign3A_30 : vector<24x768xi1> to vector<24x768xi32>
      %sign3A_32 = arith.subi %sign3A_27, %sign3A_31 : vector<24x768xi32>
      %sign3A_33 = arith.constant 0 : i32
      %sign3A_34 = arith.cmpi sgt, %jit3A, %sign3A_33 : i32
      %sign3A_35 = arith.extui %sign3A_34 : i1 to i32
      %sign3A_36 = arith.constant 0 : i32
      %sign3A_37 = arith.cmpi slt, %jit3A, %sign3A_36 : i32
      %sign3A_38 = arith.extui %sign3A_37 : i1 to i32
      %sign3A_39 = arith.subi %sign3A_35, %sign3A_38 : i32
      %ne3A_40 = vector.broadcast %sign3A_39 : i32 to vector<24x768xi32>
      %ne3A_41 = arith.cmpi ne, %sign3A_32, %ne3A_40 : vector<24x768xi32>
      %rem3A = vector.broadcast %jit3A : i32 to vector<24x768xi32>
      %rem3A_42 = arith.remsi %iota3A, %rem3A : vector<24x768xi32>
      %ne3A_43 = arith.constant 0 : i32
      %ne3A_44 = vector.broadcast %ne3A_43 : i32 to vector<24x768xi32>
      %ne3A_45 = arith.cmpi ne, %rem3A_42, %ne3A_44 : vector<24x768xi32>
      %and3A = arith.andi %ne3A_41, %ne3A_45 : vector<24x768xi1>
      %sub3A_46 = arith.constant 1 : i32
      %sub3A_47 = vector.broadcast %sub3A_46 : i32 to vector<24x768xi32>
      %sub3A_48 = arith.subi %div3A_24, %sub3A_47 : vector<24x768xi32>
      %select_n3A = arith.select %and3A, %sub3A_48, %div3A_24 : vector<24x768xi1>, vector<24x768xi32>
      %iota3A_49 = tpu.iota {dimensions = array<i32: 0>} : vector<24x768xi32>
      %eq3A_50 = arith.cmpi eq, %select_n3A, %iota3A_49 : vector<24x768xi32>
      %convert_element_type3A_51 = arith.truncf %get3A_23 : vector<2048x24xf32> to vector<2048x24xbf16>
      %convert_element_type3A_52 = arith.extui %eq3A_50 : vector<24x768xi1> to vector<24x768xi32>
      %convert_element_type3A_53 = arith.sitofp %convert_element_type3A_52 : vector<24x768xi32> to vector<24x768xf32>
      %convert_element_type3A_54 = arith.truncf %convert_element_type3A_53 : vector<24x768xf32> to vector<24x768xbf16>
      %dot_general3A = arith.constant dense<0.000000e+00> : vector<2048x768xf32>
      %dot_general3A_55 = tpu.matmul %convert_element_type3A_51, %convert_element_type3A_54, %dot_general3A {dimension_numbers = #tpu.dot_dimension_numbers<[1], [0], [0], [1], [0, 0, 1, 1], [], []>, transpose_lhs_hint = false} : vector<2048x24xbf16>, vector<24x768xbf16>, vector<2048x768xf32> -> vector<2048x768xf32>
      %get3A_56 = arith.index_cast %get3A_0 : i32 to index
      %get3A_57 = arith.constant 0 : index
      %get3A_58 = arith.constant 0 : index
      %get3A_59 = vector.load %arg6[%get3A_56, %get3A_57, %get3A_58] : memref<8x2048x24xf32, #tpu.memory_space<vmem>>, vector<1x2048x24xf32>
      %get3A_60 = vector.shape_cast %get3A_59 : vector<1x2048x24xf32> to vector<2048x24xf32>
      %iota3A_61 = tpu.iota {dimensions = array<i32: 1>} : vector<24x768xi32>
      %jit3A_62 = arith.constant 32 : i32
      %div3A_63 = vector.broadcast %jit3A_62 : i32 to vector<24x768xi32>
      %div3A_64 = arith.divsi %iota3A_61, %div3A_63 : vector<24x768xi32>
      %sign3A_65 = arith.constant 0 : i32
      %sign3A_66 = vector.broadcast %sign3A_65 : i32 to vector<24x768xi32>
      %sign3A_67 = arith.cmpi sgt, %iota3A_61, %sign3A_66 : vector<24x768xi32>
      %sign3A_68 = arith.extui %sign3A_67 : vector<24x768xi1> to vector<24x768xi32>
      %sign3A_69 = arith.constant 0 : i32
      %sign3A_70 = vector.broadcast %sign3A_69 : i32 to vector<24x768xi32>
      %sign3A_71 = arith.cmpi slt, %iota3A_61, %sign3A_70 : vector<24x768xi32>
      %sign3A_72 = arith.extui %sign3A_71 : vector<24x768xi1> to vector<24x768xi32>
      %sign3A_73 = arith.subi %sign3A_68, %sign3A_72 : vector<24x768xi32>
      %sign3A_74 = arith.constant 0 : i32
      %sign3A_75 = arith.cmpi sgt, %jit3A_62, %sign3A_74 : i32
      %sign3A_76 = arith.extui %sign3A_75 : i1 to i32
      %sign3A_77 = arith.constant 0 : i32
      %sign3A_78 = arith.cmpi slt, %jit3A_62, %sign3A_77 : i32
      %sign3A_79 = arith.extui %sign3A_78 : i1 to i32
      %sign3A_80 = arith.subi %sign3A_76, %sign3A_79 : i32
      %ne3A_81 = vector.broadcast %sign3A_80 : i32 to vector<24x768xi32>
      %ne3A_82 = arith.cmpi ne, %sign3A_73, %ne3A_81 : vector<24x768xi32>
      %rem3A_83 = vector.broadcast %jit3A_62 : i32 to vector<24x768xi32>
      %rem3A_84 = arith.remsi %iota3A_61, %rem3A_83 : vector<24x768xi32>
      %ne3A_85 = arith.constant 0 : i32
      %ne3A_86 = vector.broadcast %ne3A_85 : i32 to vector<24x768xi32>
      %ne3A_87 = arith.cmpi ne, %rem3A_84, %ne3A_86 : vector<24x768xi32>
      %and3A_88 = arith.andi %ne3A_82, %ne3A_87 : vector<24x768xi1>
      %sub3A_89 = arith.constant 1 : i32
      %sub3A_90 = vector.broadcast %sub3A_89 : i32 to vector<24x768xi32>
      %sub3A_91 = arith.subi %div3A_64, %sub3A_90 : vector<24x768xi32>
      %select_n3A_92 = arith.select %and3A_88, %sub3A_91, %div3A_64 : vector<24x768xi1>, vector<24x768xi32>
      %iota3A_93 = tpu.iota {dimensions = array<i32: 0>} : vector<24x768xi32>
      %eq3A_94 = arith.cmpi eq, %select_n3A_92, %iota3A_93 : vector<24x768xi32>
      %convert_element_type3A_95 = arith.truncf %get3A_60 : vector<2048x24xf32> to vector<2048x24xbf16>
      %convert_element_type3A_96 = arith.extui %eq3A_94 : vector<24x768xi1> to vector<24x768xi32>
      %convert_element_type3A_97 = arith.sitofp %convert_element_type3A_96 : vector<24x768xi32> to vector<24x768xf32>
      %convert_element_type3A_98 = arith.truncf %convert_element_type3A_97 : vector<24x768xf32> to vector<24x768xbf16>
      %dot_general3A_99 = arith.constant dense<0.000000e+00> : vector<2048x768xf32>
      %dot_general3A_100 = tpu.matmul %convert_element_type3A_95, %convert_element_type3A_98, %dot_general3A_99 {dimension_numbers = #tpu.dot_dimension_numbers<[1], [0], [0], [1], [0, 0, 1, 1], [], []>, transpose_lhs_hint = false} : vector<2048x24xbf16>, vector<24x768xbf16>, vector<2048x768xf32> -> vector<2048x768xf32>
      %get3A_101 = arith.index_cast %get3A_0 : i32 to index
      %get3A_102 = arith.constant 0 : index
      %get3A_103 = arith.constant 0 : index
      %get3A_104 = vector.load %arg4[%get3A_101, %get3A_102, %get3A_103] : memref<8x2048x768xi8, #tpu.memory_space<vmem>>, vector<1x2048x768xi8>
      %get3A_105 = vector.shape_cast %get3A_104 : vector<1x2048x768xi8> to vector<2048x768xi8>
      %convert_element_type3A_106 = arith.sitofp %get3A_105 : vector<2048x768xi8> to vector<2048x768xf32>
      %mul3A_107 = arith.mulf %convert_element_type3A_106, %dot_general3A_55 : vector<2048x768xf32>
      %add3A = arith.addf %mul3A_107, %dot_general3A_100 : vector<2048x768xf32>
      %convert_element_type3A_108 = arith.truncf %add3A : vector<2048x768xf32> to vector<2048x768xbf16>
      %swap3A_109 = arith.constant 0 : index
      %swap3A_110 = arith.constant 0 : index
      %swap3A_111 = vector.load %arg11[%swap3A_109, %swap3A_110] : memref<2048x768xbf16, #tpu.memory_space<vmem>>, vector<2048x768xbf16>
      tpu.vector_store %arg11[%swap3A_109, %swap3A_110], %convert_element_type3A_108 {strides = array<i32>} : memref<2048x768xbf16, #tpu.memory_space<vmem>>, vector<2048x768xbf16>,
      %get3A_112 = arith.index_cast %get3A_0 : i32 to index
      %get3A_113 = arith.constant 0 : index
      %get3A_114 = arith.constant 0 : index
      %get3A_115 = vector.load %arg8[%get3A_112, %get3A_113, %get3A_114] : memref<8x768x32xf32, #tpu.memory_space<vmem>>, vector<1x768x32xf32>
      %get3A_116 = vector.shape_cast %get3A_115 : vector<1x768x32xf32> to vector<768x32xf32>
      %iota3A_117 = tpu.iota {dimensions = array<i32: 1>} : vector<32x1024xi32>
      %jit3A_118 = arith.constant 32 : i32
      %div3A_119 = vector.broadcast %jit3A_118 : i32 to vector<32x1024xi32>
      %div3A_120 = arith.divsi %iota3A_117, %div3A_119 : vector<32x1024xi32>
      %sign3A_121 = arith.constant 0 : i32
      %sign3A_122 = vector.broadcast %sign3A_121 : i32 to vector<32x1024xi32>
      %sign3A_123 = arith.cmpi sgt, %iota3A_117, %sign3A_122 : vector<32x1024xi32>
      %sign3A_124 = arith.extui %sign3A_123 : vector<32x1024xi1> to vector<32x1024xi32>
      %sign3A_125 = arith.constant 0 : i32
      %sign3A_126 = vector.broadcast %sign3A_125 : i32 to vector<32x1024xi32>
      %sign3A_127 = arith.cmpi slt, %iota3A_117, %sign3A_126 : vector<32x1024xi32>
      %sign3A_128 = arith.extui %sign3A_127 : vector<32x1024xi1> to vector<32x1024xi32>
      %sign3A_129 = arith.subi %sign3A_124, %sign3A_128 : vector<32x1024xi32>
      %sign3A_130 = arith.constant 0 : i32
      %sign3A_131 = arith.cmpi sgt, %jit3A_118, %sign3A_130 : i32
      %sign3A_132 = arith.extui %sign3A_131 : i1 to i32
      %sign3A_133 = arith.constant 0 : i32
      %sign3A_134 = arith.cmpi slt, %jit3A_118, %sign3A_133 : i32
      %sign3A_135 = arith.extui %sign3A_134 : i1 to i32
      %sign3A_136 = arith.subi %sign3A_132, %sign3A_135 : i32
      %ne3A_137 = vector.broadcast %sign3A_136 : i32 to vector<32x1024xi32>
      %ne3A_138 = arith.cmpi ne, %sign3A_129, %ne3A_137 : vector<32x1024xi32>
      %rem3A_139 = vector.broadcast %jit3A_118 : i32 to vector<32x1024xi32>
      %rem3A_140 = arith.remsi %iota3A_117, %rem3A_139 : vector<32x1024xi32>
      %ne3A_141 = arith.constant 0 : i32
      %ne3A_142 = vector.broadcast %ne3A_141 : i32 to vector<32x1024xi32>
      %ne3A_143 = arith.cmpi ne, %rem3A_140, %ne3A_142 : vector<32x1024xi32>
      %and3A_144 = arith.andi %ne3A_138, %ne3A_143 : vector<32x1024xi1>
      %sub3A_145 = arith.constant 1 : i32
      %sub3A_146 = vector.broadcast %sub3A_145 : i32 to vector<32x1024xi32>
      %sub3A_147 = arith.subi %div3A_120, %sub3A_146 : vector<32x1024xi32>
      %select_n3A_148 = arith.select %and3A_144, %sub3A_147, %div3A_120 : vector<32x1024xi1>, vector<32x1024xi32>
      %iota3A_149 = tpu.iota {dimensions = array<i32: 0>} : vector<32x1024xi32>
      %eq3A_150 = arith.cmpi eq, %select_n3A_148, %iota3A_149 : vector<32x1024xi32>
      %convert_element_type3A_151 = arith.truncf %get3A_116 : vector<768x32xf32> to vector<768x32xbf16>
      %convert_element_type3A_152 = arith.extui %eq3A_150 : vector<32x1024xi1> to vector<32x1024xi32>
      %convert_element_type3A_153 = arith.sitofp %convert_element_type3A_152 : vector<32x1024xi32> to vector<32x1024xf32>
      %convert_element_type3A_154 = arith.truncf %convert_element_type3A_153 : vector<32x1024xf32> to vector<32x1024xbf16>
      %dot_general3A_155 = arith.constant dense<0.000000e+00> : vector<768x1024xf32>
      %dot_general3A_156 = tpu.matmul %convert_element_type3A_151, %convert_element_type3A_154, %dot_general3A_155 {dimension_numbers = #tpu.dot_dimension_numbers<[1], [0], [0], [1], [0, 0, 1, 1], [], []>, transpose_lhs_hint = false} : vector<768x32xbf16>, vector<32x1024xbf16>, vector<768x1024xf32> -> vector<768x1024xf32>
      %get3A_157 = arith.index_cast %get3A_0 : i32 to index
      %get3A_158 = arith.constant 0 : index
      %get3A_159 = arith.constant 0 : index
      %get3A_160 = vector.load %arg9[%get3A_157, %get3A_158, %get3A_159] : memref<8x768x32xf32, #tpu.memory_space<vmem>>, vector<1x768x32xf32>
      %get3A_161 = vector.shape_cast %get3A_160 : vector<1x768x32xf32> to vector<768x32xf32>
      %iota3A_162 = tpu.iota {dimensions = array<i32: 1>} : vector<32x1024xi32>
      %jit3A_163 = arith.constant 32 : i32
      %div3A_164 = vector.broadcast %jit3A_163 : i32 to vector<32x1024xi32>
      %div3A_165 = arith.divsi %iota3A_162, %div3A_164 : vector<32x1024xi32>
      %sign3A_166 = arith.constant 0 : i32
      %sign3A_167 = vector.broadcast %sign3A_166 : i32 to vector<32x1024xi32>
      %sign3A_168 = arith.cmpi sgt, %iota3A_162, %sign3A_167 : vector<32x1024xi32>
      %sign3A_169 = arith.extui %sign3A_168 : vector<32x1024xi1> to vector<32x1024xi32>
      %sign3A_170 = arith.constant 0 : i32
      %sign3A_171 = vector.broadcast %sign3A_170 : i32 to vector<32x1024xi32>
      %sign3A_172 = arith.cmpi slt, %iota3A_162, %sign3A_171 : vector<32x1024xi32>
      %sign3A_173 = arith.extui %sign3A_172 : vector<32x1024xi1> to vector<32x1024xi32>
      %sign3A_174 = arith.subi %sign3A_169, %sign3A_173 : vector<32x1024xi32>
      %sign3A_175 = arith.constant 0 : i32
      %sign3A_176 = arith.cmpi sgt, %jit3A_163, %sign3A_175 : i32
      %sign3A_177 = arith.extui %sign3A_176 : i1 to i32
      %sign3A_178 = arith.constant 0 : i32
      %sign3A_179 = arith.cmpi slt, %jit3A_163, %sign3A_178 : i32
      %sign3A_180 = arith.extui %sign3A_179 : i1 to i32
      %sign3A_181 = arith.subi %sign3A_177, %sign3A_180 : i32
      %ne3A_182 = vector.broadcast %sign3A_181 : i32 to vector<32x1024xi32>
      %ne3A_183 = arith.cmpi ne, %sign3A_174, %ne3A_182 : vector<32x1024xi32>
      %rem3A_184 = vector.broadcast %jit3A_163 : i32 to vector<32x1024xi32>
      %rem3A_185 = arith.remsi %iota3A_162, %rem3A_184 : vector<32x1024xi32>
      %ne3A_186 = arith.constant 0 : i32
      %ne3A_187 = vector.broadcast %ne3A_186 : i32 to vector<32x1024xi32>
      %ne3A_188 = arith.cmpi ne, %rem3A_185, %ne3A_187 : vector<32x1024xi32>
      %and3A_189 = arith.andi %ne3A_183, %ne3A_188 : vector<32x1024xi1>
      %sub3A_190 = arith.constant 1 : i32
      %sub3A_191 = vector.broadcast %sub3A_190 : i32 to vector<32x1024xi32>
      %sub3A_192 = arith.subi %div3A_165, %sub3A_191 : vector<32x1024xi32>
      %select_n3A_193 = arith.select %and3A_189, %sub3A_192, %div3A_165 : vector<32x1024xi1>, vector<32x1024xi32>
      %iota3A_194 = tpu.iota {dimensions = array<i32: 0>} : vector<32x1024xi32>
      %eq3A_195 = arith.cmpi eq, %select_n3A_193, %iota3A_194 : vector<32x1024xi32>
      %convert_element_type3A_196 = arith.truncf %get3A_161 : vector<768x32xf32> to vector<768x32xbf16>
      %convert_element_type3A_197 = arith.extui %eq3A_195 : vector<32x1024xi1> to vector<32x1024xi32>
      %convert_element_type3A_198 = arith.sitofp %convert_element_type3A_197 : vector<32x1024xi32> to vector<32x1024xf32>
      %convert_element_type3A_199 = arith.truncf %convert_element_type3A_198 : vector<32x1024xf32> to vector<32x1024xbf16>
      %dot_general3A_200 = arith.constant dense<0.000000e+00> : vector<768x1024xf32>
      %dot_general3A_201 = tpu.matmul %convert_element_type3A_196, %convert_element_type3A_199, %dot_general3A_200 {dimension_numbers = #tpu.dot_dimension_numbers<[1], [0], [0], [1], [0, 0, 1, 1], [], []>, transpose_lhs_hint = false} : vector<768x32xbf16>, vector<32x1024xbf16>, vector<768x1024xf32> -> vector<768x1024xf32>
      %get3A_202 = arith.index_cast %get3A_0 : i32 to index
      %get3A_203 = arith.constant 0 : index
      %get3A_204 = arith.constant 0 : index
      %get3A_205 = vector.load %arg7[%get3A_202, %get3A_203, %get3A_204] : memref<8x768x1024xi8, #tpu.memory_space<vmem>>, vector<1x768x1024xi8>
      %get3A_206 = vector.shape_cast %get3A_205 : vector<1x768x1024xi8> to vector<768x1024xi8>
      %convert_element_type3A_207 = arith.sitofp %get3A_206 : vector<768x1024xi8> to vector<768x1024xf32>
      %mul3A_208 = arith.mulf %convert_element_type3A_207, %dot_general3A_156 : vector<768x1024xf32>
      %add3A_209 = arith.addf %mul3A_208, %dot_general3A_201 : vector<768x1024xf32>
      %convert_element_type3A_210 = arith.truncf %add3A_209 : vector<768x1024xf32> to vector<768x1024xbf16>
      %swap3A_211 = arith.constant 0 : index
      %swap3A_212 = arith.constant 0 : index
      %swap3A_213 = vector.load %arg12[%swap3A_211, %swap3A_212] : memref<768x1024xbf16, #tpu.memory_space<vmem>>, vector<768x1024xbf16>
      tpu.vector_store %arg12[%swap3A_211, %swap3A_212], %convert_element_type3A_210 {strides = array<i32>} : memref<768x1024xbf16, #tpu.memory_space<vmem>>, vector<768x1024xbf16>,
    } else {
    }
    %get3A_7 = arith.constant 0 : index
    %get3A_8 = arith.constant 0 : index
    %get3A_9 = vector.load %arg2[%get3A_7, %get3A_8] : memref<128x768xbf16, #tpu.memory_space<vmem>>, vector<128x768xbf16>
    %convert_element_type3A_10 = arith.extf %get3A_9 : vector<128x768xbf16> to vector<128x768xf32>
    %get3A_11 = arith.constant 0 : index
    %get3A_12 = arith.constant 0 : index
    %get3A_13 = arith.constant 0 : index
    %get3A_14 = vector.load %arg3[%get3A_11, %get3A_12, %get3A_13] : memref<1x1x128xf32, #tpu.memory_space<vmem>>, vector<1x1x128xf32>
    %get3A_15 = vector.shape_cast %get3A_14 : vector<1x1x128xf32> to vector<128xf32>
    %broadcast_in_dim3A = vector.shape_cast %get3A_15 : vector<128xf32> to vector<128x1xf32>
    %mul3A = vector.broadcast %broadcast_in_dim3A : vector<128x1xf32> to vector<128x768xf32>
    %mul3A_16 = arith.mulf %convert_element_type3A_10, %mul3A : vector<128x768xf32>
    %swap3A = arith.constant 0 : index
    %swap3A_17 = arith.constant 0 : index
    %swap3A_18 = vector.load %arg10[%swap3A, %swap3A_17] : memref<128x768xf32, #tpu.memory_space<vmem>>, vector<128x768xf32>
    tpu.vector_store %arg10[%swap3A, %swap3A_17], %mul3A_16 {strides = array<i32>} : memref<128x768xf32, #tpu.memory_space<vmem>>, vector<128x768xf32>,
    return
  }
  func.func @transform_0(%arg0: i32, %arg1: memref<39xi32, #tpu.memory_space<smem>>) -> (i32, i32) {
    %c0_i32 = arith.constant 0 : i32
    %c0_i32_0 = arith.constant 0 : i32
    return %arg0, %c0_i32 : i32, i32
  }
  func.func @transform_1(%arg0: i32, %arg1: memref<39xi32, #tpu.memory_space<smem>>) -> (i32, i32, i32) {
    %c0_i32 = arith.constant 0 : i32
    %c0_i32_0 = arith.constant 0 : i32
    %c0_i32_1 = arith.constant 0 : i32
    return %arg0, %c0_i32, %c0_i32_0 : i32, i32, i32
  }
  func.func @transform_2(%arg0: i32, %arg1: memref<39xi32, #tpu.memory_space<smem>>) -> (i32, i32, i32) {
    %c0_i32 = arith.constant 0 : i32
    %c0_i32_0 = arith.constant 0 : i32
    %c0_i32_1 = arith.constant 0 : i32
    %c0_i32_2 = arith.constant 0 : i32
    return %c0_i32, %c0_i32_0, %c0_i32_1 : i32, i32, i32
  }
  func.func @transform_3(%arg0: i32, %arg1: memref<39xi32, #tpu.memory_space<smem>>) -> (i32, i32, i32) {
    %c0_i32 = arith.constant 0 : i32
    %c0_i32_0 = arith.constant 0 : i32
    %c0_i32_1 = arith.constant 0 : i32
    %c0_i32_2 = arith.constant 0 : i32
    return %c0_i32, %c0_i32_0, %c0_i32_1 : i32, i32, i32
  }
  func.func @transform_4(%arg0: i32, %arg1: memref<39xi32, #tpu.memory_space<smem>>) -> (i32, i32, i32) {
    %c0_i32 = arith.constant 0 : i32
    %c0_i32_0 = arith.constant 0 : i32
    %c0_i32_1 = arith.constant 0 : i32
    %c0_i32_2 = arith.constant 0 : i32
    return %c0_i32, %c0_i32_0, %c0_i32_1 : i32, i32, i32
  }
  func.func @transform_5(%arg0: i32, %arg1: memref<39xi32, #tpu.memory_space<smem>>) -> (i32, i32, i32) {
    %c0_i32 = arith.constant 0 : i32
    %c0_i32_0 = arith.constant 0 : i32
    %c0_i32_1 = arith.constant 0 : i32
    %c0_i32_2 = arith.constant 0 : i32
    return %c0_i32, %c0_i32_0, %c0_i32_1 : i32, i32, i32
  }
  func.func @transform_6(%arg0: i32, %arg1: memref<39xi32, #tpu.memory_space<smem>>) -> (i32, i32, i32) {
    %c0_i32 = arith.constant 0 : i32
    %c0_i32_0 = arith.constant 0 : i32
    %c0_i32_1 = arith.constant 0 : i32
    %c0_i32_2 = arith.constant 0 : i32
    return %c0_i32, %c0_i32_0, %c0_i32_1 : i32, i32, i32
  }
  func.func @transform_7(%arg0: i32, %arg1: memref<39xi32, #tpu.memory_space<smem>>) -> (i32, i32, i32) {
    %c0_i32 = arith.constant 0 : i32
    %c0_i32_0 = arith.constant 0 : i32
    %c0_i32_1 = arith.constant 0 : i32
    %c0_i32_2 = arith.constant 0 : i32
    return %c0_i32, %c0_i32_0, %c0_i32_1 : i32, i32, i32
  }
  func.func @transform_8(%arg0: i32, %arg1: memref<39xi32, #tpu.memory_space<smem>>) -> (i32, i32) {
    %c0_i32 = arith.constant 0 : i32
    %c0_i32_0 = arith.constant 0 : i32
    return %arg0, %c0_i32 : i32, i32
  }
}

</mosaic_0001>

<sc_bundles>
// kernel: gather_offload_async_start.1
scs
__scs_entry_jumppad:
0x0: {  	(pc) =	sbr.rel $0x88, $3  }
0x1: {  	(tag) =	ssettag $0x0;
	lr =	simm.s32 $0x1  }
0x2: {  	[smem:$0x3F98] =	sst lr;
	_ =	strace $0xD0000000  }
0x3: {  	_ = 	snop  }
0x4: {  	_ = 	snop  }
0x5: {  	_ = 	snop  }
0x6: {  	_ = 	snop  }
0x7: {  	_ = 	snop  }
__scs_overlays_trampoline_lowered:
0x8: {  	[smem:$0x3FA7] =	sst s0  }
0x9: {  	[smem:$0x3FA8] =	sst s1  }
0xa: {  	[smem:$0x3FA9] =	sst s2  }
0xb: {  	[smem:$0x3FAA] =	sst s3  }
0xc: {  	[smem:$0x3FAB] =	sst s4  }
0xd: {  	[smem:$0x3FAC] =	sst s5  }
0xe: {  	[smem:$0x3FAD] =	sst s6  }
0xf: {  	[smem:$0x3FAE] =	sst s7  }
0x10: {  	[smem:$0x3FAF] =	sst s8  }
0x11: {  	[smem:$0x3FB0] =	sst s9;
	s0 =	simm.s32 @!p0 $0x0  }
0x12: {  	s1 =	sld [smem:$0x3F96];
	s0 =	simm.s32 @p0 $0x1  }
0x13: {  	[smem:$0x3FB1] =	sst s0;
	s0 =	simm.s32 @!p1 $0x0  }
0x14: {  	s2 =	sld [smem:$0x3F95];
	s0 =	simm.s32 @p1 $0x1  }
0x15: {  	[smem:$0x3FB2] =	sst s0;
	s0 =	simm.s32 @!p2 $0x0  }
0x16: {  	s3 =	sld [smem:$0x3FDB];
	s0 =	simm.s32 @p2 $0x1  }
0x17: {  	s4 =	simm.s32 $0x1BF5;
	[smem:$0x3FB4] =	sst s0  }
0x18: {  	s0 =	sld [smem:$0x3F97];
	_ =	swait.ge [sflag:s4], $0x0  }
0x19: {  	s7 =	sld [smem:$0x3F98]  }
0x1a: {  	s8 =	sadd.s32 $0xFFFFE003, lr  }
0x1b: {  	s9 =	sadd.s32 $0xFFFFFEF7, lr;
	s5 =	simm.s32 $0xFFFFFFFF;
	p2 =	slt.u32 s8, $0xFFFFF086  }
0x1c: {  	p1 =	slt.u32 s9, $0xF7A;
	s5 =	simm.s32 @!p2 $0x0  }
0x1d: {  	s5 =	simm.s32 @p1 $0x1;
	p0 =	seq.s32 s7, s2  }
0x1e: {  	s7 =	smul.u32 @!p0 $0xF7A, s2;
	p2 =	seq.s32 @!p0 s5, $0x0  }
0x1f: {  	s9 =	smul.u32 $0xF7A, s1;
	s8 =	simm.s32 @!p0 $0x1BF5;
	p2 =	por !p2, p0  }
0x20: {  	[sflag:s8] =	ssyncset.s32 @!p0 $0xFFFFF086;
	s6 =	sadd.s32 @!p0 s3, s7;
	s7 =	simm.s32 @!p0 $0x108  }
0x21: {  	s3 =	sadd.s32 s3, s9;
	s6 =	sadd.s32 @!p0 $0x88, s6;
	s7 =	simm.s32 @p2 $0x1082  }
0x22: {  	[simem:s7], [sflag:s8] =	dma.local @!p0 [hbm:s6], $0xF7A  }
0x23: {  	s9 =	sor.u32 $0xD0000000, s2;
	s6 =	simm.s32 $0x108;
	_ =	swait.ge @!p0 [sflag:s8], $0x0  }
0x24: {  	s3 =	sadd.s32 $0x88, s3;
	s6 =	simm.s32 @!p1 $0x1082;
	[sflag:s4] =	ssyncset.s32 $0xFFFFF086  }
0x25: {  	[simem:s6], [sflag:s4] =	dma.local [hbm:s3], $0xF7A  }
0x26: {  	[smem:$0x3F98] =	sst s1;
	(tag) =	ssettag s2;
	_ =	strace s9  }
0x27: {  	s1 =	sld [smem:$0x3FA8]  }
0x28: {  	s2 =	sld [smem:$0x3FA9]  }
0x29: {  	s4 =	sld [smem:$0x3FAB]  }
0x2a: {  	p0 =	seq.s32 s5, $0x0;
	s5 =	sld [smem:$0x3FAC]  }
0x2b: {  	s6 =	sld [smem:$0x3FAD]  }
0x2c: {  	s7 =	sld [smem:$0x3FAE]  }
0x2d: {  	s3 =	simm.s32 $0x108;
	s8 =	sld [smem:$0x3FAF]  }
0x2e: {  	s3 =	simm.s32 @!p0 $0x1082;
	s9 =	sld [smem:$0x3FB0]  }
0x2f: {  	lr =	sadd.s32 s0, s3;
	s0 =	sld [smem:$0x3FA7]  }
0x30: {  	s3 =	sld [smem:$0x3FAA]  }
0x31: {  	[smem:$0x3FB3] =	sst s10  }
0x32: {  	s10 =	sld [smem:$0x3FB1];
	_ =	sdelay $0x3  }
0x33: {  	p0 =	seq.s32 s10, $0x1;
	s10 =	sld [smem:$0x3FB3];
	_ =	sdelay $0x3  }
0x34: {  	[smem:$0x3FB3] =	sst s10  }
0x35: {  	s10 =	sld [smem:$0x3FB2];
	_ =	sdelay $0x3  }
0x36: {  	p1 =	seq.s32 s10, $0x1;
	s10 =	sld [smem:$0x3FB3];
	_ =	sdelay $0x3  }
0x37: {  	[smem:$0x3FB3] =	sst s10  }
0x38: {  	s10 =	sld [smem:$0x3FB4]  }
0x39: {  	_ = 	snop;
	(pc) =	sbr.ind lr, $3  }
0x3a: {  	_ = 	snop  }
0x3b: {  	_ = 	snop  }
0x3c: {  	p2 =	seq.s32 s10, $0x1;
	s10 =	sld [smem:$0x3FB3]  }
0x3d: {  	_ =	shalt  }
0x3e: {  	_ =	shalt  }
0x3f: {  	_ =	shalt  }
0x40: {  	_ =	shalt  }
0x41: {  	_ =	shalt  }
0x42: {  	_ =	shalt  }
0x43: {  	_ =	shalt  }
0x44: {  	_ =	shalt  }
0x45: {  	_ =	shalt  }
0x46: {  	_ =	shalt  }
0x47: {  	_ =	shalt  }
0x48: {  	_ =	shalt  }
0x49: {  	_ =	shalt  }
0x4a: {  	_ =	shalt  }
0x4b: {  	_ =	shalt  }
0x4c: {  	_ =	shalt  }
0x4d: {  	_ =	shalt  }
0x4e: {  	_ =	shalt  }
0x4f: {  	_ =	shalt  }
0x50: {  	_ =	shalt  }
0x51: {  	_ =	shalt  }
0x52: {  	_ =	shalt  }
0x53: {  	_ =	shalt  }
0x54: {  	_ =	shalt  }
0x55: {  	_ =	shalt  }
0x56: {  	_ =	shalt  }
0x57: {  	_ =	shalt  }
0x58: {  	_ =	shalt  }
0x59: {  	_ =	shalt  }
0x5a: {  	_ =	shalt  }
0x5b: {  	_ =	shalt  }
0x5c: {  	_ =	shalt  }
0x5d: {  	_ =	shalt  }
0x5e: {  	_ =	shalt  }
0x5f: {  	_ =	shalt  }
0x60: {  	_ =	shalt  }
0x61: {  	_ =	shalt  }
0x62: {  	_ =	shalt  }
0x63: {  	_ =	shalt  }
0x64: {  	_ =	shalt  }
0x65: {  	_ =	shalt  }
0x66: {  	_ =	shalt  }
0x67: {  	_ =	shalt  }
0x68: {  	_ =	shalt  }
0x69: {  	_ =	shalt  }
0x6a: {  	_ =	shalt  }
0x6b: {  	_ =	shalt  }
0x6c: {  	_ =	shalt  }
0x6d: {  	_ =	shalt  }
0x6e: {  	_ =	shalt  }
0x6f: {  	_ =	shalt  }
0x70: {  	_ =	shalt  }
0x71: {  	_ =	shalt  }
0x72: {  	_ =	shalt  }
0x73: {  	_ =	shalt  }
0x74: {  	_ =	shalt  }
0x75: {  	_ =	shalt  }
0x76: {  	_ =	shalt  }
0x77: {  	_ =	shalt  }
0x78: {  	_ =	shalt  }
0x79: {  	_ =	shalt  }
0x7a: {  	_ =	shalt  }
0x7b: {  	_ =	shalt  }
0x7c: {  	_ =	shalt  }
0x7d: {  	_ =	shalt  }
0x7e: {  	_ =	shalt  }
0x7f: {  	_ =	shalt  }
0x80: {  	_ =	shalt  }
0x81: {  	_ =	shalt  }
0x82: {  	_ =	shalt  }
0x83: {  	_ =	shalt  }
0x84: {  	_ =	shalt  }
0x85: {  	_ =	shalt  }
0x86: {  	_ =	shalt  }
0x87: {  	_ =	shalt  }
.Lfunc_end0:
.L_simem_size_0:
called_computation.1_lowered:
.L_overlay_start_0:
0x88: {  	s2 =	sld [smem:$0x3FD9]  }
0x89: {  	s3 =	sld [smem:$0x3FFE];
	_ =	sdelay $0x1  }
0x8a: {  	s1 =	srdreg.scid  }
0x8b: {  	s0 =	sand.u32 $0x1, s1  }
0x8c: {  	s16 =	sshll.u32 s0, $0xA;
	s2 =	sadd.s32 s3, s2  }
0x8d: {  	s2 =	sadd.s32 s2, s16  }
0x8e: {  	[smem:$0x3FBF] =	sst s2  }
0x8f: {  	_ = 	snop  }
0x90: {  	(tm) =	ssettm $0x1  }
0x91: {  	s17 =	sld [smem:$0x3FFB];
	_ =	sdelay $0x3  }
0x92: {  	_ =	strace s17  }
0x93: {  	s2 =	sld [smem:$0x3FFC];
	_ =	sdelay $0x3  }
0x94: {  	_ =	strace s2  }
0x95: {  	s2 =	sld [smem:$0x3FFD];
	_ =	sdelay $0x3  }
0x96: {  	_ =	strace s2  }
0x97: {  	_ =	strace $0x8FFFFFFF  }
0x98: {  	s18 =	sld [smem:$0x3FDB];
	_ =	sdelay $0x1  }
0x99: {  	s19 =	simm.s32 $_scs_section_size  }
0x9a: {  	s4 =	simm.s32 $_size__tile_overlayer_lowered;
	s5 =	simm.s32 $_tile_overlayer_lowered  }
0x9b: {  	s22 =	simm.s32 $0x1BFF;
	s21 =	sshll.u32 s5, $0x1;
	s2 =	sadd.s32 s19, s18  }
0x9c: {  	s6 =	simm.s32 $0x0;
	s20 =	sshll.u32 s4, $0x1;
	s4 =	sadd.s32 s21, s2  }
0x9d: {  	[timem:s6], [sflag:s22] =	dma.local [hbm:s4], s20  }
0x9e: {  	_ =	swait.ge [sflag:s22], s20  }
0x9f: {  	s3 =	ssub.s32 $0x0, s20;
	[sflag:s22] =	ssyncset.done $0x0  }
0xa0: {  	[sflag:s22] =	ssyncadd.s32 s3;
	_ =	sdelay $0x1  }
0xa1: {  	s23 =	simm.s32 $0x1B8B  }
0xa2: {  	_ =	swait.ge [sflag:s23], $0x1  }
0xa3: {  	[sflag:s23] =	ssyncset.done $0x0  }
0xa4: {  	s25 =	simm.s32 $0x1B8E;
	s24 =	sld [smem:$0x3FFE];
	[sflag:s23] =	ssyncadd.s32 $0xFFFFFFFF  }
0xa5: {  	s26 =	simm.s32 $execute0_lowered;
	[smem:$0x3FD2] =	sst s25  }
0xa6: {  	s4 =	sshll.u32 s26, $0x1;
	_ =	strace $0x80000049;
	[dreg:$0x1] =	wrdreg $0xFFFFFFFF  }
0xa7: {  	s28 =	simm.s32 $_size_execute0_lowered;
	s2 =	sadd.s32 s2, s4;
	[dreg:$0x0] =	wrdreg $0x0  }
0xa8: {  	s4 =	sshll.u32 s28, $0x1;
	[dreg:$0x2] =	wrdreg s2  }
0xa9: {  	[dreg:$0x3] =	wrdreg s4  }
0xaa: {  	[dreg:$0x4] =	wrdreg $0xC0  }
0xab: {  	_ =	task [dreg:s6], $0x5FFFF  }
0xac: {  	[dreg:$0x1] =	wrdreg $0xFFFFFFFF  }
0xad: {  	[dreg:$0x0] =	wrdreg $0x60  }
0xae: {  	[dreg:$0x2] =	wrdreg s24  }
0xaf: {  	[dreg:$0x3] =	wrdreg $0x9  }
0xb0: {  	_ =	task.clear_ibuf [dreg:s6], $0x4FFFF;
	_ =	strace $0x90000049  }
0xb1: {  	s29 =	simm.s32 $0x9;
	_ =	strace $0x8000004B  }
0xb2: {  	_ =	swait.ge [sflag:s29], $0x1  }
0xb3: {  	[sflag:s29] =	ssyncadd.s32 $0xFFFFFFFF  }
0xb4: {  	_ =	strace $0x9000004B  }
0xb5: {  	_ =	sfence  }
0xb6: {  	s30 =	sld [smem:$0x0];
	_ =	sdelay $0x2  }
0xb7: {  	s31 =	sshll.u32 s1, $0xD;
	s1 =	sshrl.u32 s1, $0x2  }
0xb8: {  	s3 =	sand.u32 $0x4000, s31;
	s1 =	sadd.s32 s1, s30  }
0xb9: {  	s0 =	sor.u32 s3, s0;
	s1 =	sshll.u32 s1, $0x11  }
0xba: {  	s0 =	sor.u32 s1, s0  }
0xbb: {  	s0 =	sadd.s32 $0x8F2B, s0  }
0xbc: {  	[sflag:s0] =	ssyncadd.remote.s32 $0x1  }
0xbd: {  	_ =	sfence.sel $0xFFFF  }
0xbe: {  	[dreg:$0x0] =	wrdreg $0xFFFFFFFF;
	(pc) =	sbr.abs _section_cstart, $3  }
0xbf: {  	[dreg:$0x1] =	wrdreg $0xFFFFFFFF  }
0xc0: {  	_ =	task.clear_ibuf [dreg:s6], $0x2FFFF;
	_ =	strace $0x9FFFFFFF  }
0xc1: {  	(tm) =	ssettm $0x7FFFFFFF  }
tec
execute0_lowered:
.L_overlay_start_1:
0x0: {  	(tag) =	ssettag $0x1  }
0x1: {  	s7 =	rddreg [dreg:$0x0]  }
0x2: {  	s0 =	rddreg [dreg:$0x1];
	_ =	strace $0x8000004A  }
0x3: {  	s1 =	srdreg.scid;
	s4 =	simm.s32 $0x1;
	s9 =	simm.s32 $0x3  }
0x4: {  	s11 =	simm.s32 $0x0;
	p0 =	por $0x0, $0x0;
	s5 =	sshll.u32 s1, $0x4  }
.Ltmp0:
0x5: {  	s1 =	stileid.u32;
	s5 =	sand.u32 $0x10, s5;
	(pc) =	sbr.rel .LBB2_1-.Ltmp0, $4  }
0x6: {  	s2 =	sadd.s32 $0xE0800, s7;
	s3 =	sadd.s32 $0x400, s7;
	s6 =	sor.u32 s1, s5  }
0x7: {  	[sflag:s4] =	ssyncpa.u1 $0x0;
	s5 =	simm.s32 $0x2;
	s6 =	sshll.u32 s6, $0x7  }
0x8: {  	s7 =	sadd.s32 $0x600, s7;
	[sflag:s5] =	ssyncpa.u1 $0x0;
	s8 =	sadd.s32 $0x80, s6  }
0x9: {  	vm0 =	vmmov $0xff;
	vm1 =	vcmask $0x3F20;
	[sflag:s9] =	ssyncpa.u1 $0x0;
	s10 =	smov.u32 s6;
	s9 =	simm.s32 $0x0  }
.LBB2_9:
0xa: {  	p1 =	slt.u32 s9, $0x2;
	s11 =	sadd.s32 $0x40, s10  }
0xb: {  	s13 =	smov.u32 s6;
	s9 =	sadd.s32 $0x1, s9;
	p2 =	slt.s32 s11, s8  }
0xc: {  	s13 =	smov.u32 @p2 s11;
	p2 =	sne.s32 s9, $0x4  }
.Ltmp1:
0xd: {  	_ = 	snop;
	(pc) =	sbr.rel @!p2 .LBB2_10-.Ltmp1, $4  }
0xe: {  	s12 =	simm.s32 @!p1 $0x3  }
0xf: {  	_ =	swait.ge @!p1 [sflag:s12], $0xC000  }
0x10: {  	p0 =	por !p0, !p0;
	[sflag:s12] =	ssyncset.done @!p1 $0x0  }
0x11: {  	s11 =	smov.u32 s10;
	s10 =	smov.u32 s13;
	[sflag:s12] =	ssyncadd.s32 @!p1 $0xFFFF4000  }
.LBB2_1:
0x12: {  	p1 =	sgt.u32 s9, $0x1  }
0x13: {  	s12 =	sshll.u32 @!p1 s9, $0x6;
	s13 =	sshrl.u32 @!p1 s10, $0x3  }
0x14: {  	s14 =	sand.u32 @!p1 $0x7, s10;
	s12 =	sxor.u32 @!p1 $0x40, s12;
	s13 =	sadd.s32 @!p1 s3, s13  }
0x15: {  	[tilespmem:s12], [sflag:$0x2] =	stream.linear.gather @!p1 [hbm4b:s13+s14], $0x40, $0x38;
	[tilespmem:$0x18080] =	vst v63  }
0x16: {  	p1 =	seq.s32 s9, $0x0  }
0x17: {  	p2 =	seq.s32 @!p1 s9, $0x3  }
0x18: {  	p1 =	por p1, p2  }
.Ltmp2:
0x19: {  	_ = 	snop;
	(pc) =	sbr.rel @p1 .LBB2_9-.Ltmp2, $1  }
0x1a: {  	_ =	sdelay $0x3  }
0x1b: {  	s12 =	simm.s32 $0x1  }
0x1c: {  	s12 =	simm.s32 @!p0 $0x0  }
0x1d: {  	s12 =	smul.u32 $0x30000, s12;
	_ =	sdelay $0x1  }
0x1e: {  	_ =	swait.ge [sflag:s5], $0x40;
	s13 =	sand.u32 $0x1, s9;
	s12 =	sshrl.u32 s12, $0x2  }
0x1f: {  	s14 =	simm.s32 $0x0;
	[sflag:s5] =	ssyncset.done $0x0;
	s12 =	sor.u32 $0x80, s12  }
0x20: {  	s13 =	sshll.u32 s13, $0x6;
	[sflag:s5] =	ssyncadd.s32 $0xFFFFFFC0;
	s15 =	smov.u32 s12  }
.LBB2_3:
0x21: {  	s16 =	sshll.u32 s14, $0x4  }
0x22: {  	s16 =	sand.u32 $0x3FFFFFF0, s16  }
0x23: {  	s16 =	sadd.s32 s16, s13  }
0x24: {  	v0 =	vld.msk [tilespmem:s16+$0x0 ss:$0x1], $0xffff;
	_ =	sdelay $0x4  }
0x25: {  	vm2 =	vgt.s32 v0, $0x0  }
0x26: {  	v0 =	vnsel vm2, $0x0, v0  }
0x27: {  	v0 =	vmin.u32 v0, $0x137F  }
0x28: {  	v1 =	vshrl.u32 v0, $0x3  }
0x29: {  	v0 =	vshll.u32 v0, $0x7;
	v1 =	vmul.u32 $0x1800, v1  }
0x2a: {  	v0 =	vand.u32 $0x380, v0  }
0x2b: {  	v0 =	vor.u32 v0, v1  }
0x2c: {  	v0 =	vshrl.u32 v0, $0x3;
	_ =	sdelay $0x3  }
0x2d: {  	s17 =	sadd.s32 $0x0, s15  }
0x2e: {  	[tilespmem:s17], [sflag:$0x1] =	stream.indirect_vreg.gather [hbm:s2], $0x80, v0, vm0, $0x38;
	[tilespmem:$0x18080] =	vst v63  }
0x2f: {  	s16 =	simm.s32 $0x1000;
	v1 =	vadd.s32 $0x80, v0;
	s17 =	sadd.s32 $0x1800, s17  }
.LBB2_4:
0x30: {  	[tilespmem:s17], [sflag:$0x1] =	stream.indirect_vreg.gather [hbm:s2], $0x80, v0, vm1, $0x38;
	[tilespmem:$0x18080] =	vst v63  }
0x31: {  	v0 =	vmov v1;
	s17 =	smov.u32 s16;
	p1 =	sne.s32 s16, $0x5000  }
.Ltmp3:
0x32: {  	s16 =	sadd.s32 $0x1000, s16;
	(pc) =	sbr.rel @p1 .LBB2_4-.Ltmp3, $4  }
0x33: {  	s17 =	sshra.s32 s17, $0x2  }
0x34: {  	s17 =	sadd.s32 s17, s15  }
0x35: {  	[tilespmem:s17], [sflag:$0x1] =	stream.indirect_vreg.gather [hbm:s2], $0x80, v1, vm0, $0x38;
	[tilespmem:$0x18080] =	vst v63  }
0x36: {  	s17 =	sadd.s32 $0x1800, s17;
	v1 =	vadd.s32 $0x80, v1  }
0x37: {  	s14 =	sadd.s32 $0x1, s14  }
0x38: {  	p1 =	sne.s32 s14, $0x4  }
.Ltmp4:
0x39: {  	_ = 	snop;
	(pc) =	sbr.rel @p1 .LBB2_3-.Ltmp4, $3  }
0x3a: {  	_ =	sdelay $0x1  }
0x3b: {  	[tilespmem:s17], [sflag:$0x1] =	stream.indirect_vreg.gather [hbm:s2], $0x80, v0, vm1, $0x38;
	[tilespmem:$0x18080] =	vst v63  }
0x3c: {  	s15 =	sadd.s32 $0x3000, s15  }
0x3d: {  	s13 =	sshrl.u32 s11, $0x3  }
0x3e: {  	s13 =	smul.u32 $0x300, s13  }
0x3f: {  	s31 =	sshll.u32 s11, $0x4  }
0x40: {  	_ =	swait.ge [sflag:s4], $0xC000;
	s11 =	sand.u32 $0x70, s31;
	s13 =	sadd.s32 s13, s7  }
0x41: {  	s14 =	sadd.s32 $0x1800, s12;
	[sflag:s4] =	ssyncset.done $0x0;
	s11 =	sadd.s32 s11, s13  }
0x42: {  	[sflag:s4] =	ssyncadd.s32 $0xFFFF4000;
	s13 =	simm.s32 $0x300;
	s15 =	sadd.s32 $0x0, s11  }
.LBB2_7:
0x43: {  	[hbm:s15] =	stream.linear.scatter [tilespmem:s12], [sflag:$0x3], $0x1800, $0x38;
	[tilespmem:$0x18080] =	vst v63  }
0x44: {  	s15 =	smov.u32 s13;
	s12 =	smov.u32 s14;
	p1 =	sne.s32 s13, $0x1500  }
.Ltmp5:
0x45: {  	s13 =	sadd.s32 $0x300, s13;
	(pc) =	sbr.rel @p1 .LBB2_7-.Ltmp5, $2  }
0x46: {  	_ =	sdelay $0x2  }
0x47: {  	s14 =	sadd.s32 $0x1800, s14;
	s15 =	sadd.s32 s15, s11  }
.Ltmp6:
0x48: {  	(pc) =	sbr.rel .LBB2_9-.Ltmp6, $2  }
0x49: {  	_ =	sdelay $0x2  }
0x4a: {  	[hbm:s15] =	stream.linear.scatter [tilespmem:s12], [sflag:$0x3], $0x1800, $0x38;
	[tilespmem:$0x18080] =	vst v63  }
.LBB2_10:
0x4b: {  	_ =	sfence.sel $0x180000  }
0x4c: {  	s2 =	simm.s32 $0x2;
	[bflag:$0x0] =	sbarrier.arrive $0xFFFF  }
0x4d: {  	s30 =	simm.s32 $0x3;
	[sflag:s2] =	ssyncpa.u1 $0x1  }
0x4e: {  	s31 =	simm.s32 $0x1;
	[sflag:s30] =	ssyncpa.u1 $0x1  }
0x4f: {  	[sflag:s31] =	ssyncpa.u1 $0x1  }
0x50: {  	p0 =	sne.s32 s1, $0x0;
	_ =	strace $0x9000004A  }
0x51: {  	s0 =	sadd.s32 @!p0 $0x100000, s0;
	[bflag:$0x2] =	sbarrier.arrive $0xFFFF  }
0x52: {  	[sflag:s0] =	ssyncadd.tile.s32 @!p0 $0x1;
	_ =	shalt  }
.Lfunc_end2:
_tile_overlayer_lowered:
.L_overlay_start_2:
0x53: {  	(tag) =	ssettag $0x2  }
0x54: {  	s0 =	rddreg [dreg:$0x0];
	s2 =	stileid.u32  }
0x55: {  	s1 =	rddreg [dreg:$0x1];
	p0 =	sne.s32 s2, $0x0  }
0x56: {  	s3 =	rddreg [dreg:$0x2];
	[bflag:$0x3] =	sbarrier.arrive $0xFFFF;
	s2 =	simm.s32 @!p0 $0x1C01  }
0x57: {  	[timem:s3], [sflag:s2] =	dma.local @!p0 [hbm:s0], s1  }
0x58: {  	s0 =	simm.s32 @!p0 $0x1  }
0x59: {  	_ =	swait.ge @!p0 [sflag:s0], s1  }
0x5a: {  	s1 =	ssub.s32 @!p0 $0x0, s1;
	[sflag:s0] =	ssyncset.done @!p0 $0x0  }
0x5b: {  	[sflag:s0] =	ssyncadd.s32 @!p0 s1  }
0x5c: {  	[bflag:$0x3] =	sbarrier.arrive $0xFFFF  }
0x5d: {  	_ =	shalt  }

// kernel: gather_offload_async_start
scs
__scs_entry_jumppad:
0x0: {  	(pc) =	sbr.rel $0x88, $3  }
0x1: {  	(tag) =	ssettag $0x0;
	lr =	simm.s32 $0x1  }
0x2: {  	[smem:$0x3F98] =	sst lr;
	_ =	strace $0xD0000000  }
0x3: {  	_ = 	snop  }
0x4: {  	_ = 	snop  }
0x5: {  	_ = 	snop  }
0x6: {  	_ = 	snop  }
0x7: {  	_ = 	snop  }
__scs_overlays_trampoline_lowered:
0x8: {  	[smem:$0x3FA7] =	sst s0  }
0x9: {  	[smem:$0x3FA8] =	sst s1  }
0xa: {  	[smem:$0x3FA9] =	sst s2  }
0xb: {  	[smem:$0x3FAA] =	sst s3  }
0xc: {  	[smem:$0x3FAB] =	sst s4  }
0xd: {  	[smem:$0x3FAC] =	sst s5  }
0xe: {  	[smem:$0x3FAD] =	sst s6  }
0xf: {  	[smem:$0x3FAE] =	sst s7  }
0x10: {  	[smem:$0x3FAF] =	sst s8  }
0x11: {  	[smem:$0x3FB0] =	sst s9;
	s0 =	simm.s32 @!p0 $0x0  }
0x12: {  	s1 =	sld [smem:$0x3F96];
	s0 =	simm.s32 @p0 $0x1  }
0x13: {  	[smem:$0x3FB1] =	sst s0;
	s0 =	simm.s32 @!p1 $0x0  }
0x14: {  	s2 =	sld [smem:$0x3F95];
	s0 =	simm.s32 @p1 $0x1  }
0x15: {  	[smem:$0x3FB2] =	sst s0;
	s0 =	simm.s32 @!p2 $0x0  }
0x16: {  	s3 =	sld [smem:$0x3FDB];
	s0 =	simm.s32 @p2 $0x1  }
0x17: {  	s4 =	simm.s32 $0x1BF5;
	[smem:$0x3FB4] =	sst s0  }
0x18: {  	s0 =	sld [smem:$0x3F97];
	_ =	swait.ge [sflag:s4], $0x0  }
0x19: {  	s7 =	sld [smem:$0x3F98]  }
0x1a: {  	s8 =	sadd.s32 $0xFFFFE003, lr  }
0x1b: {  	s9 =	sadd.s32 $0xFFFFFEF7, lr;
	s5 =	simm.s32 $0xFFFFFFFF;
	p2 =	slt.u32 s8, $0xFFFFF086  }
0x1c: {  	p1 =	slt.u32 s9, $0xF7A;
	s5 =	simm.s32 @!p2 $0x0  }
0x1d: {  	s5 =	simm.s32 @p1 $0x1;
	p0 =	seq.s32 s7, s2  }
0x1e: {  	s7 =	smul.u32 @!p0 $0xF7A, s2;
	p2 =	seq.s32 @!p0 s5, $0x0  }
0x1f: {  	s9 =	smul.u32 $0xF7A, s1;
	s8 =	simm.s32 @!p0 $0x1BF5;
	p2 =	por !p2, p0  }
0x20: {  	[sflag:s8] =	ssyncset.s32 @!p0 $0xFFFFF086;
	s6 =	sadd.s32 @!p0 s3, s7;
	s7 =	simm.s32 @!p0 $0x108  }
0x21: {  	s3 =	sadd.s32 s3, s9;
	s6 =	sadd.s32 @!p0 $0x88, s6;
	s7 =	simm.s32 @p2 $0x1082  }
0x22: {  	[simem:s7], [sflag:s8] =	dma.local @!p0 [hbm:s6], $0xF7A  }
0x23: {  	s9 =	sor.u32 $0xD0000000, s2;
	s6 =	simm.s32 $0x108;
	_ =	swait.ge @!p0 [sflag:s8], $0x0  }
0x24: {  	s3 =	sadd.s32 $0x88, s3;
	s6 =	simm.s32 @!p1 $0x1082;
	[sflag:s4] =	ssyncset.s32 $0xFFFFF086  }
0x25: {  	[simem:s6], [sflag:s4] =	dma.local [hbm:s3], $0xF7A  }
0x26: {  	[smem:$0x3F98] =	sst s1;
	(tag) =	ssettag s2;
	_ =	strace s9  }
0x27: {  	s1 =	sld [smem:$0x3FA8]  }
0x28: {  	s2 =	sld [smem:$0x3FA9]  }
0x29: {  	s4 =	sld [smem:$0x3FAB]  }
0x2a: {  	p0 =	seq.s32 s5, $0x0;
	s5 =	sld [smem:$0x3FAC]  }
0x2b: {  	s6 =	sld [smem:$0x3FAD]  }
0x2c: {  	s7 =	sld [smem:$0x3FAE]  }
0x2d: {  	s3 =	simm.s32 $0x108;
	s8 =	sld [smem:$0x3FAF]  }
0x2e: {  	s3 =	simm.s32 @!p0 $0x1082;
	s9 =	sld [smem:$0x3FB0]  }
0x2f: {  	lr =	sadd.s32 s0, s3;
	s0 =	sld [smem:$0x3FA7]  }
0x30: {  	s3 =	sld [smem:$0x3FAA]  }
0x31: {  	[smem:$0x3FB3] =	sst s10  }
0x32: {  	s10 =	sld [smem:$0x3FB1];
	_ =	sdelay $0x3  }
0x33: {  	p0 =	seq.s32 s10, $0x1;
	s10 =	sld [smem:$0x3FB3];
	_ =	sdelay $0x3  }
0x34: {  	[smem:$0x3FB3] =	sst s10  }
0x35: {  	s10 =	sld [smem:$0x3FB2];
	_ =	sdelay $0x3  }
0x36: {  	p1 =	seq.s32 s10, $0x1;
	s10 =	sld [smem:$0x3FB3];
	_ =	sdelay $0x3  }
0x37: {  	[smem:$0x3FB3] =	sst s10  }
0x38: {  	s10 =	sld [smem:$0x3FB4]  }
0x39: {  	_ = 	snop;
	(pc) =	sbr.ind lr, $3  }
0x3a: {  	_ = 	snop  }
0x3b: {  	_ = 	snop  }
0x3c: {  	p2 =	seq.s32 s10, $0x1;
	s10 =	sld [smem:$0x3FB3]  }
0x3d: {  	_ =	shalt  }
0x3e: {  	_ =	shalt  }
0x3f: {  	_ =	shalt  }
0x40: {  	_ =	shalt  }
0x41: {  	_ =	shalt  }
0x42: {  	_ =	shalt  }
0x43: {  	_ =	shalt  }
0x44: {  	_ =	shalt  }
0x45: {  	_ =	shalt  }
0x46: {  	_ =	shalt  }
0x47: {  	_ =	shalt  }
0x48: {  	_ =	shalt  }
0x49: {  	_ =	shalt  }
0x4a: {  	_ =	shalt  }
0x4b: {  	_ =	shalt  }
0x4c: {  	_ =	shalt  }
0x4d: {  	_ =	shalt  }
0x4e: {  	_ =	shalt  }
0x4f: {  	_ =	shalt  }
0x50: {  	_ =	shalt  }
0x51: {  	_ =	shalt  }
0x52: {  	_ =	shalt  }
0x53: {  	_ =	shalt  }
0x54: {  	_ =	shalt  }
0x55: {  	_ =	shalt  }
0x56: {  	_ =	shalt  }
0x57: {  	_ =	shalt  }
0x58: {  	_ =	shalt  }
0x59: {  	_ =	shalt  }
0x5a: {  	_ =	shalt  }
0x5b: {  	_ =	shalt  }
0x5c: {  	_ =	shalt  }
0x5d: {  	_ =	shalt  }
0x5e: {  	_ =	shalt  }
0x5f: {  	_ =	shalt  }
0x60: {  	_ =	shalt  }
0x61: {  	_ =	shalt  }
0x62: {  	_ =	shalt  }
0x63: {  	_ =	shalt  }
0x64: {  	_ =	shalt  }
0x65: {  	_ =	shalt  }
0x66: {  	_ =	shalt  }
0x67: {  	_ =	shalt  }
0x68: {  	_ =	shalt  }
0x69: {  	_ =	shalt  }
0x6a: {  	_ =	shalt  }
0x6b: {  	_ =	shalt  }
0x6c: {  	_ =	shalt  }
0x6d: {  	_ =	shalt  }
0x6e: {  	_ =	shalt  }
0x6f: {  	_ =	shalt  }
0x70: {  	_ =	shalt  }
0x71: {  	_ =	shalt  }
0x72: {  	_ =	shalt  }
0x73: {  	_ =	shalt  }
0x74: {  	_ =	shalt  }
0x75: {  	_ =	shalt  }
0x76: {  	_ =	shalt  }
0x77: {  	_ =	shalt  }
0x78: {  	_ =	shalt  }
0x79: {  	_ =	shalt  }
0x7a: {  	_ =	shalt  }
0x7b: {  	_ =	shalt  }
0x7c: {  	_ =	shalt  }
0x7d: {  	_ =	shalt  }
0x7e: {  	_ =	shalt  }
0x7f: {  	_ =	shalt  }
0x80: {  	_ =	shalt  }
0x81: {  	_ =	shalt  }
0x82: {  	_ =	shalt  }
0x83: {  	_ =	shalt  }
0x84: {  	_ =	shalt  }
0x85: {  	_ =	shalt  }
0x86: {  	_ =	shalt  }
0x87: {  	_ =	shalt  }
.Lfunc_end0:
.L_simem_size_0:
called_computation_lowered:
.L_overlay_start_0:
0x88: {  	s2 =	sld [smem:$0x3FD9]  }
0x89: {  	s3 =	sld [smem:$0x3FFE];
	_ =	sdelay $0x1  }
0x8a: {  	s1 =	srdreg.scid  }
0x8b: {  	s0 =	sand.u32 $0x1, s1  }
0x8c: {  	s17 =	sshll.u32 s0, $0xA;
	s2 =	sadd.s32 s3, s2  }
0x8d: {  	s2 =	sadd.s32 s2, s17  }
0x8e: {  	[smem:$0x3FBF] =	sst s2  }
0x8f: {  	_ = 	snop  }
0x90: {  	s2 =	sld [smem:$0x3FD0];
	(tm) =	ssettm $0x1  }
0x91: {  	s18 =	sld [smem:$0x3FFB];
	_ =	sdelay $0x3  }
0x92: {  	_ =	strace s18  }
0x93: {  	s3 =	sld [smem:$0x3FFC];
	_ =	sdelay $0x3  }
0x94: {  	_ =	strace s3  }
0x95: {  	s3 =	sld [smem:$0x3FFD];
	_ =	sdelay $0x3  }
0x96: {  	_ =	strace s3  }
0x97: {  	_ =	strace $0x8FFFFFFF  }
0x98: {  	s19 =	sld [smem:$0x3FDB];
	_ =	sdelay $0x1  }
0x99: {  	s4 =	simm.s32 $_scs_section_size  }
0x9a: {  	s5 =	simm.s32 $_size__tile_overlayer_lowered;
	s6 =	simm.s32 $_tile_overlayer_lowered  }
0x9b: {  	s22 =	simm.s32 $0x1BFF;
	s21 =	sshll.u32 s6, $0x1;
	s3 =	sadd.s32 s4, s19  }
0x9c: {  	s7 =	simm.s32 $0x0;
	s20 =	sshll.u32 s5, $0x1;
	s5 =	sadd.s32 s21, s3  }
0x9d: {  	[timem:s7], [sflag:s22] =	dma.local [hbm:s5], s20  }
0x9e: {  	_ =	swait.ge [sflag:s22], s20  }
0x9f: {  	s4 =	ssub.s32 $0x0, s20;
	[sflag:s22] =	ssyncset.done $0x0  }
0xa0: {  	[sflag:s22] =	ssyncadd.s32 s4;
	_ =	sdelay $0x1  }
0xa1: {  	s23 =	simm.s32 $0x1B8B  }
0xa2: {  	_ =	swait.ge [sflag:s23], $0x1  }
0xa3: {  	[sflag:s23] =	ssyncset.done $0x0  }
0xa4: {  	s25 =	simm.s32 $0x1B8E;
	s24 =	sld [smem:$0x3FFE];
	[sflag:s23] =	ssyncadd.s32 $0xFFFFFFFF  }
0xa5: {  	s26 =	simm.s32 $execute0_lowered;
	[smem:$0x3FD2] =	sst s25  }
0xa6: {  	s5 =	sshll.u32 s26, $0x1;
	_ =	strace $0x80000046;
	[dreg:$0x1] =	wrdreg $0xFFFFFFFF  }
0xa7: {  	s28 =	simm.s32 $_size_execute0_lowered;
	s3 =	sadd.s32 s3, s5;
	[dreg:$0x0] =	wrdreg $0x0  }
0xa8: {  	s5 =	sshll.u32 s28, $0x1;
	[dreg:$0x2] =	wrdreg s3  }
0xa9: {  	[dreg:$0x3] =	wrdreg s5  }
0xaa: {  	[dreg:$0x4] =	wrdreg $0xC0  }
0xab: {  	_ =	task [dreg:s7], $0x5FFFF  }
0xac: {  	[dreg:$0x1] =	wrdreg $0xFFFFFFFF  }
0xad: {  	[dreg:$0x0] =	wrdreg $0x60  }
0xae: {  	[dreg:$0x2] =	wrdreg s24  }
0xaf: {  	[dreg:$0x3] =	wrdreg s2  }
0xb0: {  	[dreg:$0x4] =	wrdreg $0x9  }
0xb1: {  	_ =	task.clear_ibuf [dreg:s7], $0x5FFFF;
	_ =	strace $0x90000046  }
0xb2: {  	s29 =	simm.s32 $0x9;
	_ =	strace $0x80000048  }
0xb3: {  	_ =	swait.ge [sflag:s29], $0x1  }
0xb4: {  	[sflag:s29] =	ssyncadd.s32 $0xFFFFFFFF  }
0xb5: {  	_ =	strace $0x90000048  }
0xb6: {  	_ =	sfence  }
0xb7: {  	s30 =	sld [smem:$0x0];
	_ =	sdelay $0x2  }
0xb8: {  	s31 =	sshll.u32 s1, $0xD;
	s1 =	sshrl.u32 s1, $0x2  }
0xb9: {  	s3 =	sand.u32 $0x4000, s31;
	s1 =	sadd.s32 s1, s30  }
0xba: {  	s0 =	sor.u32 s3, s0;
	s1 =	sshll.u32 s1, $0x11  }
0xbb: {  	s0 =	sor.u32 s1, s0  }
0xbc: {  	s0 =	sadd.s32 $0x8F2B, s0  }
0xbd: {  	[sflag:s0] =	ssyncadd.remote.s32 $0x1  }
0xbe: {  	_ =	sfence.sel $0xFFFF  }
0xbf: {  	[dreg:$0x0] =	wrdreg $0xFFFFFFFF;
	(pc) =	sbr.abs _section_cstart, $3  }
0xc0: {  	[dreg:$0x1] =	wrdreg $0xFFFFFFFF  }
0xc1: {  	_ =	task.clear_ibuf [dreg:s7], $0x2FFFF;
	_ =	strace $0x9FFFFFFF  }
0xc2: {  	(tm) =	ssettm $0x7FFFFFFF  }
0xc3: {  	_ =	shalt  }
tec
execute0_lowered:
.L_overlay_start_1:
0x0: {  	(tag) =	ssettag $0x1  }
0x1: {  	s8 =	rddreg [dreg:$0x0]  }
0x2: {  	s2 =	rddreg [dreg:$0x1]  }
0x3: {  	s0 =	rddreg [dreg:$0x2];
	s1 =	stileid.u32  }
0x4: {  	s3 =	srdreg.scid;
	_ =	strace $0x80000047;
	s4 =	simm.s32 $0x1  }
0x5: {  	s7 =	simm.s32 $0x1;
	s9 =	simm.s32 $0x1;
	s10 =	simm.s32 $0x3  }
0x6: {  	s13 =	simm.s32 $0x0;
	s5 =	sand.u32 $0x1, s3;
	s6 =	sshll.u32 s1, $0x1  }
0x7: {  	s12 =	simm.s32 $0x0;
	s3 =	sadd.s32 $0x600, s8;
	s5 =	sor.u32 s6, s5  }
.Ltmp0:
0x8: {  	[sflag:s4] =	ssyncpa.u1 $0x0;
	p0 =	slt.u32 s5, $0x15;
	(pc) =	sbr.rel .LBB2_1-.Ltmp0, $4  }
0x9: {  	s6 =	simm.s32 $0x2;
	s7 =	simm.s32 @!p0 $0x0;
	p0 =	sne.s32 s5, $0x14  }
0xa: {  	[sflag:s6] =	ssyncpa.u1 $0x0;
	s5 =	smul.u32 $0x60, s5;
	s9 =	simm.s32 @!p0 $0x0  }
0xb: {  	s8 =	sadd.s32 $0xE0800, s8;
	[sflag:s10] =	ssyncpa.u1 $0x0;
	s7 =	sadd.s32 s9, s7  }
0xc: {  	vm0 =	vmmov $0xffff;
	s10 =	simm.s32 $0x0;
	s11 =	smov.u32 s5;
	s9 =	sadd.s32 $0x1, s7  }
.LBB2_4:
0xd: {  	v2 =	vnsel vm1, $0x0, v2  }
0xe: {  	vm1 =	vgt.s32 v0, $0x0;
	v2 =	vmin.u32 v2, $0xFFF  }
0xf: {  	v0 =	vnsel vm1, $0x0, v0  }
0x10: {  	v0 =	vmin.u32 v0, $0xFFF  }
0x11: {  	[tilespmem:s18], [sflag:$0x1] =	stream.indirect_vreg.gather [hbm4b:s3+s10], $0x1, v1, vm0, $0x4038;
	[tilespmem:$0x180] =	vst v63  }
0x12: {  	(ifvalue) =	ssetifvalue $0x7FFFFFFF  }
0x13: {  	[tilespmem:s15], [sflag:$0x1] =	stream.indirect_vreg.gather [hbm4b:s3+s10], $0x1, v2, vm0, $0x4038;
	[tilespmem:$0x180] =	vst v63  }
0x14: {  	s29 =	sadd.s32 $0x10, s15;
	(ifvalue) =	ssetifvalue $0x7FFFFFFF  }
0x15: {  	[tilespmem:s29], [sflag:$0x1] =	stream.indirect_vreg.gather [hbm4b:s3+s10], $0x1, v0, vm0, $0x4038;
	[tilespmem:$0x180] =	vst v63  }
0x16: {  	_ =	swait.ge [sflag:s4], $0x60  }
0x17: {  	s30 =	sshrl.u32 s13, $0x3;
	[sflag:s4] =	ssyncset.done $0x0  }
0x18: {  	s31 =	sand.u32 $0x7, s13;
	s15 =	sadd.s32 s8, s30;
	[sflag:s4] =	ssyncadd.s32 $0xFFFFFFA0  }
0x19: {  	[hbm4b:s15+s31] =	stream.linear.scatter [tilespmem:s14], [sflag:$0x3], $0x60, $0x38;
	[tilespmem:$0x180] =	vst v63  }
.LBB2_5:
0x1a: {  	s15 =	sadd.s32 $0xC00, s11  }
0x1b: {  	p1 =	sgt.s32 s15, $0x137F  }
0x1c: {  	s15 =	smov.u32 @p1 s5;
	p1 =	sne.s32 s12, s9  }
.Ltmp1:
0x1d: {  	p0 =	slt.u32 s12, $0x2;
	(pc) =	sbr.rel @!p1 .LBB2_6-.Ltmp1, $4  }
0x1e: {  	s14 =	simm.s32 @!p0 $0x3  }
0x1f: {  	_ =	swait.ge @!p0 [sflag:s14], $0x60  }
0x20: {  	s16 =	sadd.s32 $0x1, s12;
	s13 =	smov.u32 s11;
	[sflag:s14] =	ssyncset.done @!p0 $0x0  }
0x21: {  	s12 =	smov.u32 s16;
	s11 =	smov.u32 s15;
	[sflag:s14] =	ssyncadd.s32 @!p0 $0xFFFFFFA0  }
.LBB2_1:
0x22: {  	p0 =	sge.u32 s12, s7  }
0x23: {  	s14 =	sxor.u32 @!p0 $0x1, s12  }
0x24: {  	s14 =	smul.u32 @!p0 $0x180, s14  }
0x25: {  	s31 =	sadd.s32 $0xFFFFFFFF, s12;
	s15 =	sshrl.u32 @!p0 s11, $0x3  }
0x26: {  	s16 =	sand.u32 @!p0 $0x7, s11;
	s15 =	sadd.s32 @!p0 s2, s15;
	s14 =	sshra.s32 @!p0 s14, $0x2  }
0x27: {  	[tilespmem:s14], [sflag:$0x2] =	stream.linear.gather @!p0 [hbm4b:s15+s16], $0x60, $0x38;
	[tilespmem:$0x180] =	vst v63  }
0x28: {  	p0 =	sge.u32 s31, s7  }
.Ltmp2:
0x29: {  	_ = 	snop;
	(pc) =	sbr.rel @p0 .LBB2_5-.Ltmp2, $1  }
0x2a: {  	_ =	sdelay $0x3  }
0x2b: {  	s14 =	sand.u32 $0x1, s12  }
0x2c: {  	_ =	swait.ge [sflag:s6], $0x60;
	p0 =	seq.s32 s14, $0x1;
	s14 =	simm.s32 $0x60  }
0x2d: {  	[sflag:s6] =	ssyncset.done $0x0;
	s14 =	simm.s32 @!p0 $0x0  }
0x2e: {  	[sflag:s6] =	ssyncadd.s32 $0xFFFFFFA0;
	(ifvalue) =	ssetifvalue $0x7FFFFFFF;
	v0 =	vld.msk [tilespmem:s14+$0x0 ss:$0x1], $0xffff;
	_ =	sdelay $0x4  }
0x2f: {  	s15 =	sadd.s32 $0x10, s14;
	vm1 =	vgt.s32 v0, $0x0  }
0x30: {  	v2 =	vld.msk [tilespmem:s15+$0x0 ss:$0x1], $0xffff;
	v1 =	vnsel vm1, $0x0, v0  }
0x31: {  	v1 =	vmin.u32 v1, $0xFFF;
	_ =	sdelay $0x2  }
0x32: {  	s17 =	simm.s32 $0x20;
	s14 =	sadd.s32 $0xC0, s14;
	s16 =	sadd.s32 $0x10, s15  }
0x33: {  	s15 =	sadd.s32 $0x10, s14;
	s18 =	smov.u32 s14;
	v0 =	vld.msk [tilespmem:s16+$0x0 ss:$0x1], $0xffff;
	vm1 =	vgt.s32 v2, $0x0;
	(ifvalue) =	ssetifvalue $0x7FFFFFFF  }
.LBB2_3:
0x34: {  	[tilespmem:s18], [sflag:$0x1] =	stream.indirect_vreg.gather [hbm4b:s3+s10], $0x1, v1, vm0, $0x4038;
	[tilespmem:$0x180] =	vst v63  }
0x35: {  	s17 =	sadd.s32 $0x10, s17  }
0x36: {  	v2 =	vnsel vm1, $0x0, v2;
	p0 =	slt.u32 s17, $0x50  }
.Ltmp3:
0x37: {  	s18 =	smov.u32 s15;
	v1 =	vmin.u32 v2, $0xFFF;
	(pc) =	sbr.rel @p0 .LBB2_3-.Ltmp3, $3  }
0x38: {  	_ =	sdelay $0x1  }
0x39: {  	s16 =	sadd.s32 $0x10, s16  }
0x3a: {  	vm1 =	vgt.s32 v0, $0x0;
	s15 =	sadd.s32 $0x10, s15;
	v2 =	vmov v0;
	(ifvalue) =	ssetifvalue $0x7FFFFFFF;
	v0 =	vld.msk [tilespmem:s16+$0x0 ss:$0x1], $0xffff  }
.Ltmp4:
0x3b: {  	_ = 	snop;
	(pc) =	sbr.rel .LBB2_4-.Ltmp4, $1  }
0x3c: {  	_ =	sdelay $0x3  }
.LBB2_6:
0x3d: {  	_ =	sfence.sel $0x180000  }
0x3e: {  	s2 =	simm.s32 $0x2;
	[bflag:$0x0] =	sbarrier.arrive $0xFFFF  }
0x3f: {  	s30 =	simm.s32 $0x3;
	[sflag:s2] =	ssyncpa.u1 $0x1  }
0x40: {  	s31 =	simm.s32 $0x1;
	[sflag:s30] =	ssyncpa.u1 $0x1  }
0x41: {  	[sflag:s31] =	ssyncpa.u1 $0x1  }
0x42: {  	p0 =	sne.s32 s1, $0x0;
	_ =	strace $0x90000047  }
0x43: {  	s0 =	sadd.s32 @!p0 $0x100000, s0;
	[bflag:$0x2] =	sbarrier.arrive $0xFFFF  }
0x44: {  	[sflag:s0] =	ssyncadd.tile.s32 @!p0 $0x1;
	_ =	shalt  }
.Lfunc_end2:
_tile_overlayer_lowered:
.L_overlay_start_2:
0x45: {  	(tag) =	ssettag $0x2  }
0x46: {  	s0 =	rddreg [dreg:$0x0];
	s2 =	stileid.u32  }
0x47: {  	s1 =	rddreg [dreg:$0x1];
	p0 =	sne.s32 s2, $0x0  }
0x48: {  	s3 =	rddreg [dreg:$0x2];
	[bflag:$0x3] =	sbarrier.arrive $0xFFFF;
	s2 =	simm.s32 @!p0 $0x1C01  }
0x49: {  	[timem:s3], [sflag:s2] =	dma.local @!p0 [hbm:s0], s1  }
0x4a: {  	s0 =	simm.s32 @!p0 $0x1  }
0x4b: {  	_ =	swait.ge @!p0 [sflag:s0], s1  }
0x4c: {  	s1 =	ssub.s32 @!p0 $0x0, s1;
	[sflag:s0] =	ssyncset.done @!p0 $0x0  }
0x4d: {  	[sflag:s0] =	ssyncadd.s32 @!p0 s1  }
0x4e: {  	[bflag:$0x3] =	sbarrier.arrive $0xFFFF  }
0x4f: {  	_ =	shalt  }

</sc_bundles>
